<compile_context>
chip_gen: v7x
topology: tpu7x:2x2x1
jax: 0.10.2.dev20260603
libtpu: 0.0.44.dev20260713+nightly
codegen_flags: <defaults>
</compile_context>

<pallas_src>
import jax
import jax.numpy as jnp
from jax import lax
from jax.experimental import pallas as pl
from jax.experimental.pallas import tpu as pltpu
from jax.experimental.pallas import tpu_sc as plsc

_N = 5000
_FLAT = _N * 2
_L = 16
_NW = 16
_CHUNK = 640
_VECS = _CHUNK // _L
_LASTBASE = _FLAT - _CHUNK
_T = 1000
_TPAD = 1024


def _sc_body(t_hbm, ac_hbm, om_hbm, tb_hbm, nz_hbm, out_hbm,
             t_v, ac_v, om_v, tb_v, nz_v, o_v,
             sem_t, sem_tab, sem_in, sem_out):
    wid = lax.axis_index("s")
    base = jnp.minimum(wid * _CHUNK, _LASTBASE)
    cp_t = pltpu.async_copy(t_hbm, t_v.at[pl.ds(0, 1)], sem_t)
    cp_ac = pltpu.async_copy(ac_hbm, ac_v.at[pl.ds(0, _T)], sem_tab)
    cp_om = pltpu.async_copy(om_hbm, om_v.at[pl.ds(0, _T)], sem_tab)
    cp_tb = pltpu.async_copy(tb_hbm.at[pl.ds(base, _CHUNK)], tb_v, sem_in)
    cp_nz = pltpu.async_copy(nz_hbm.at[pl.ds(base, _CHUNK)], nz_v, sem_in)
    cp_t.wait()
    cp_ac.wait()
    cp_om.wait()
    ts = t_v[...][0]
    c1 = jnp.full((_L,), ac_v[pl.ds(ts, _L)][0], jnp.float32)
    c2 = jnp.full((_L,), om_v[pl.ds(ts, _L)][0], jnp.float32)
    bc = c2 * 0.5
    cc = (1.0 - c1) * 0.5
    zero = jnp.zeros((_L,), jnp.float32)
    one = jnp.full((_L,), 1.0, jnp.float32)
    cp_tb.wait()
    cp_nz.wait()

    @plsc.parallel_loop(0, _CHUNK, step=_L, unroll=40)
    def _loop(i):
        sl = pl.ds(i, _L)
        v = c1 * tb_v[sl] + (bc * nz_v[sl] + cc)
        o_v[sl] = jnp.minimum(jnp.maximum(v, zero), one)

    pltpu.sync_copy(o_v, out_hbm.at[pl.ds(base, _CHUNK)])


@jax.jit
def kernel(audio, true_boxes, sqrt_alphas_cumprod, sqrt_one_minus_alphas_cumprod, noise, t):
    del audio
    run = pl.kernel(
        _sc_body,
        out_type=jax.ShapeDtypeStruct((_FLAT,), jnp.float32),
        mesh=plsc.VectorSubcoreMesh(core_axis_name="c", subcore_axis_name="s",
                                    num_cores=1),
        scratch_types=[
            pltpu.VMEM((_L,), jnp.int32),
            pltpu.VMEM((_TPAD,), jnp.float32),
            pltpu.VMEM((_TPAD,), jnp.float32),
            pltpu.VMEM((_CHUNK,), jnp.float32),
            pltpu.VMEM((_CHUNK,), jnp.float32),
            pltpu.VMEM((_CHUNK,), jnp.float32),
            pltpu.SemaphoreType.DMA,
            pltpu.SemaphoreType.DMA,
            pltpu.SemaphoreType.DMA,
            pltpu.SemaphoreType.DMA,
        ],
    )
    out = run(t.astype(jnp.int32), sqrt_alphas_cumprod,
              sqrt_one_minus_alphas_cumprod,
              true_boxes.reshape(_FLAT), noise.reshape(_FLAT))
    return out.reshape(_N, 2)

# --- scband reference (transcript-rebuilt; emitter-appended) ---
"""Pipeline reference for scband-diffusion-det-audio-55714315764091 (READ-ONLY COPY).

The authoritative reference and input builder live on the scoring server;
editing this copy changes nothing except your own understanding.
"""

import jax, jax.numpy as jnp
import numpy as np
import math

SCALE = 1.0
TIMESTEPS = 1000
NUM_PROPOSALS = 5000


def _alphas_cumprod():
    # cosine_beta_schedule from the torch module
    s = 0.008
    steps = TIMESTEPS + 1
    x = np.linspace(0, TIMESTEPS, steps, dtype=np.float64)
    ac = np.cos((x / TIMESTEPS + s) / (1 + s) * math.pi * 0.5) ** 2
    ac = ac / ac[0]
    betas = 1.0 - ac[1:] / ac[:-1]
    betas = np.clip(betas, 0.0, 0.999)
    alphas = 1.0 - betas
    return np.cumprod(alphas)


def setup_inputs(seed: int = 0) -> dict:
    key = jax.random.key(seed)
    k1, k2, k3, k4 = jax.random.split(key, 4)
    audio = jax.random.normal(k1, (8, 3000, 80), dtype=jnp.float32)
    # true_boxes in [0,1], num_gt == num_proposals so pad_boxes takes the identity branch
    true_boxes = jax.random.uniform(k2, (NUM_PROPOSALS, 2), dtype=jnp.float32)
    # diffusion noise (matched to box dim 2; the torch code's (N,4) noise is a latent bug)
    noise = jax.random.normal(k3, (NUM_PROPOSALS, 2), dtype=jnp.float32)
    # sampled timestep, made an explicit input for determinism
    t = jax.random.randint(k4, (1,), 0, TIMESTEPS, dtype=jnp.int32)
    acp = _alphas_cumprod()
    sqrt_ac = jnp.asarray(np.sqrt(acp), dtype=jnp.float32)
    sqrt_om = jnp.asarray(np.sqrt(1.0 - acp), dtype=jnp.float32)
    return {
        "audio": audio,
        "true_boxes": true_boxes,
        "sqrt_alphas_cumprod": sqrt_ac,
        "sqrt_one_minus_alphas_cumprod": sqrt_om,
        "noise": noise,
        "t": t,
    }


def reference(audio, true_boxes, sqrt_alphas_cumprod, sqrt_one_minus_alphas_cumprod, noise, t):
    # encoder is nn.Sequential() -> identity
    audio_features = audio
    # pad_boxes with num_gt == num_proposals: just signal rescale
    x_start = (true_boxes * 2.0 - 1.0) * SCALE
    # corrupted_boxes_generator: extract(a, t, shape) -> a.gather(-1, t).reshape(1, 1)
    c1 = jnp.take(sqrt_alphas_cumprod, t).reshape(1, 1)
    c2 = jnp.take(sqrt_one_minus_alphas_cumprod, t).reshape(1, 1)
    pb_crpt = c1 * x_start + c2 * noise
    pb_crpt = jnp.clip(pb_crpt, -SCALE, SCALE)
    pb_crpt = (pb_crpt / SCALE + 1.0) / 2.0
    return pb_crpt

if __name__ == "__main__":
    import jax
    _d = setup_inputs()
    print(jax.jit(kernel)(*tuple(_d.values())))

</pallas_src>

<mosaic_0001>
#map = affine_map<(d0, d1) -> (0)>
module attributes {stable_mosaic.version = 14 : i64} {
  func.func @_sc_body(%arg0: i32, %arg1: i32, %arg2: memref<1xi32, #tpu.memory_space<hbm>>, %arg3: memref<1000xf32, #tpu.memory_space<hbm>>, %arg4: memref<1000xf32, #tpu.memory_space<hbm>>, %arg5: memref<10000xf32, #tpu.memory_space<hbm>>, %arg6: memref<10000xf32, #tpu.memory_space<hbm>>, %arg7: memref<10000xf32, #tpu.memory_space<hbm>>, %arg8: memref<16xi32, #tpu.memory_space<vmem>>, %arg9: memref<1024xf32, #tpu.memory_space<vmem>>, %arg10: memref<1024xf32, #tpu.memory_space<vmem>>, %arg11: memref<640xf32, #tpu.memory_space<vmem>>, %arg12: memref<640xf32, #tpu.memory_space<vmem>>, %arg13: memref<640xf32, #tpu.memory_space<vmem>>, %arg14: memref<!tpu.dma_semaphore, #tpu.memory_space<semaphore_mem>>, %arg15: memref<!tpu.dma_semaphore, #tpu.memory_space<semaphore_mem>>, %arg16: memref<!tpu.dma_semaphore, #tpu.memory_space<semaphore_mem>>, %arg17: memref<!tpu.dma_semaphore, #tpu.memory_space<semaphore_mem>>) attributes {dimension_semantics = [#tpu.dimension_semantics<core_parallel>, #tpu.dimension_semantics<subcore_parallel>], iteration_bounds = array<i64: 1, 16>, scalar_prefetch = 0 : i64, scratch_operands = 10 : i64, tpu.core_type = #tpu.core_type<sc_vector_subcore>, window_params = [{transform_indices = #map}, {transform_indices = #map}, {transform_indices = #map}, {transform_indices = #map}, {transform_indices = #map}, {transform_indices = #map}]} {
    %mul3A = arith.constant 640 : i32
    %mul3A_0 = arith.muli %arg1, %mul3A : i32
    %min3A = arith.constant 9360 : i32
    %min3A_1 = arith.minsi %mul3A_0, %min3A : i32
    %dma_start3A = arith.constant 0 : i32
    %dma_start3A_2 = tpu.memref_slice %arg8[%dma_start3A] : memref<16xi32, #tpu.memory_space<vmem>> -> memref<1xi32, #tpu.memory_space<vmem>>
    %dma_start3A_3 = arith.constant 0 : i32
    %dma_start3A_4 = tpu.memref_slice %arg8[%dma_start3A_3] : memref<16xi32, #tpu.memory_space<vmem>> -> memref<1xi32, #tpu.memory_space<vmem>>
    tpu.enqueue_dma source(%arg2 : memref<1xi32, #tpu.memory_space<hbm>>) target(%dma_start3A_4 : memref<1xi32, #tpu.memory_space<vmem>>) target_semaphore(%arg14 : memref<!tpu.dma_semaphore, #tpu.memory_space<semaphore_mem>>)
    %dma_start3A_5 = arith.constant 0 : i32
    %dma_start3A_6 = tpu.memref_slice %arg9[%dma_start3A_5] : memref<1024xf32, #tpu.memory_space<vmem>> -> memref<1000xf32, #tpu.memory_space<vmem>>
    %dma_start3A_7 = arith.constant 0 : i32
    %dma_start3A_8 = tpu.memref_slice %arg9[%dma_start3A_7] : memref<1024xf32, #tpu.memory_space<vmem>> -> memref<1000xf32, #tpu.memory_space<vmem>>
    tpu.enqueue_dma source(%arg3 : memref<1000xf32, #tpu.memory_space<hbm>>) target(%dma_start3A_8 : memref<1000xf32, #tpu.memory_space<vmem>>) target_semaphore(%arg15 : memref<!tpu.dma_semaphore, #tpu.memory_space<semaphore_mem>>)
    %dma_start3A_9 = arith.constant 0 : i32
    %dma_start3A_10 = tpu.memref_slice %arg10[%dma_start3A_9] : memref<1024xf32, #tpu.memory_space<vmem>> -> memref<1000xf32, #tpu.memory_space<vmem>>
    %dma_start3A_11 = arith.constant 0 : i32
    %dma_start3A_12 = tpu.memref_slice %arg10[%dma_start3A_11] : memref<1024xf32, #tpu.memory_space<vmem>> -> memref<1000xf32, #tpu.memory_space<vmem>>
    tpu.enqueue_dma source(%arg4 : memref<1000xf32, #tpu.memory_space<hbm>>) target(%dma_start3A_12 : memref<1000xf32, #tpu.memory_space<vmem>>) target_semaphore(%arg15 : memref<!tpu.dma_semaphore, #tpu.memory_space<semaphore_mem>>)
    %dma_start3A_13 = tpu.memref_slice %arg5[%min3A_1] : memref<10000xf32, #tpu.memory_space<hbm>> -> memref<640xf32, #tpu.memory_space<hbm>>
    %dma_start3A_14 = tpu.memref_slice %arg5[%min3A_1] : memref<10000xf32, #tpu.memory_space<hbm>> -> memref<640xf32, #tpu.memory_space<hbm>>
    tpu.enqueue_dma source(%dma_start3A_14 : memref<640xf32, #tpu.memory_space<hbm>>) target(%arg11 : memref<640xf32, #tpu.memory_space<vmem>>) target_semaphore(%arg16 : memref<!tpu.dma_semaphore, #tpu.memory_space<semaphore_mem>>)
    %dma_start3A_15 = tpu.memref_slice %arg6[%min3A_1] : memref<10000xf32, #tpu.memory_space<hbm>> -> memref<640xf32, #tpu.memory_space<hbm>>
    %dma_start3A_16 = tpu.memref_slice %arg6[%min3A_1] : memref<10000xf32, #tpu.memory_space<hbm>> -> memref<640xf32, #tpu.memory_space<hbm>>
    tpu.enqueue_dma source(%dma_start3A_16 : memref<640xf32, #tpu.memory_space<hbm>>) target(%arg12 : memref<640xf32, #tpu.memory_space<vmem>>) target_semaphore(%arg16 : memref<!tpu.dma_semaphore, #tpu.memory_space<semaphore_mem>>)
    %dma_wait3A = arith.constant 0 : i32
    %dma_wait3A_17 = tpu.memref_slice %arg8[%dma_wait3A] : memref<16xi32, #tpu.memory_space<vmem>> -> memref<1xi32, #tpu.memory_space<vmem>>
    %dma_wait3A_18 = arith.constant 0 : i32
    %dma_wait3A_19 = tpu.memref_slice %arg8[%dma_wait3A_18] : memref<16xi32, #tpu.memory_space<vmem>> -> memref<1xi32, #tpu.memory_space<vmem>>
    tpu.wait_dma2 semaphore(%arg14 : memref<!tpu.dma_semaphore, #tpu.memory_space<semaphore_mem>>) src(%arg2 : memref<1xi32, #tpu.memory_space<hbm>>) dst(%dma_wait3A_19 : memref<1xi32, #tpu.memory_space<vmem>>)
    %dma_wait3A_20 = arith.constant 0 : i32
    %dma_wait3A_21 = tpu.memref_slice %arg9[%dma_wait3A_20] : memref<1024xf32, #tpu.memory_space<vmem>> -> memref<1000xf32, #tpu.memory_space<vmem>>
    %dma_wait3A_22 = arith.constant 0 : i32
    %dma_wait3A_23 = tpu.memref_slice %arg9[%dma_wait3A_22] : memref<1024xf32, #tpu.memory_space<vmem>> -> memref<1000xf32, #tpu.memory_space<vmem>>
    tpu.wait_dma2 semaphore(%arg15 : memref<!tpu.dma_semaphore, #tpu.memory_space<semaphore_mem>>) src(%arg3 : memref<1000xf32, #tpu.memory_space<hbm>>) dst(%dma_wait3A_23 : memref<1000xf32, #tpu.memory_space<vmem>>)
    %dma_wait3A_24 = arith.constant 0 : i32
    %dma_wait3A_25 = tpu.memref_slice %arg10[%dma_wait3A_24] : memref<1024xf32, #tpu.memory_space<vmem>> -> memref<1000xf32, #tpu.memory_space<vmem>>
    %dma_wait3A_26 = arith.constant 0 : i32
    %dma_wait3A_27 = tpu.memref_slice %arg10[%dma_wait3A_26] : memref<1024xf32, #tpu.memory_space<vmem>> -> memref<1000xf32, #tpu.memory_space<vmem>>
    tpu.wait_dma2 semaphore(%arg15 : memref<!tpu.dma_semaphore, #tpu.memory_space<semaphore_mem>>) src(%arg4 : memref<1000xf32, #tpu.memory_space<hbm>>) dst(%dma_wait3A_27 : memref<1000xf32, #tpu.memory_space<vmem>>)
    %get3A = arith.constant 0 : index
    %get3A_28 = tpu.vector_load %arg8[%get3A] {strides = array<i32>} : memref<16xi32, #tpu.memory_space<vmem>>, vector<16xi32>,
    %get3A_29 = vector.shape_cast %get3A_28 : vector<16xi32> to vector<16xi32>
    %slice3A = vector.extract_strided_slice %get3A_29 {offsets = [0], sizes = [1], strides = [1]} : vector<16xi32> to vector<1xi32>
    %squeeze3A = vector.extract %slice3A[0] : i32 from vector<1xi32>
    %get3A_30 = arith.index_cast %squeeze3A : i32 to index
    %get3A_31 = tpu.vector_load %arg9[%get3A_30] {strides = array<i32>} : memref<1024xf32, #tpu.memory_space<vmem>>, vector<16xf32>,
    %get3A_32 = vector.shape_cast %get3A_31 : vector<16xf32> to vector<16xf32>
    %slice3A_33 = vector.extract_strided_slice %get3A_32 {offsets = [0], sizes = [1], strides = [1]} : vector<16xf32> to vector<1xf32>
    %squeeze3A_34 = vector.extract %slice3A_33[0] : f32 from vector<1xf32>
    %broadcast_in_dim3A = vector.broadcast %squeeze3A_34 : f32 to vector<16xf32>
    %get3A_35 = arith.index_cast %squeeze3A : i32 to index
    %get3A_36 = tpu.vector_load %arg10[%get3A_35] {strides = array<i32>} : memref<1024xf32, #tpu.memory_space<vmem>>, vector<16xf32>,
    %get3A_37 = vector.shape_cast %get3A_36 : vector<16xf32> to vector<16xf32>
    %slice3A_38 = vector.extract_strided_slice %get3A_37 {offsets = [0], sizes = [1], strides = [1]} : vector<16xf32> to vector<1xf32>
    %squeeze3A_39 = vector.extract %slice3A_38[0] : f32 from vector<1xf32>
    %broadcast_in_dim3A_40 = vector.broadcast %squeeze3A_39 : f32 to vector<16xf32>
    %mul3A_41 = arith.constant 5.000000e-01 : f32
    %mul3A_42 = vector.broadcast %mul3A_41 : f32 to vector<16xf32>
    %mul3A_43 = arith.mulf %broadcast_in_dim3A_40, %mul3A_42 : vector<16xf32>
    %sub3A = arith.constant 1.000000e+00 : f32
    %sub3A_44 = vector.broadcast %sub3A : f32 to vector<16xf32>
    %sub3A_45 = arith.subf %sub3A_44, %broadcast_in_dim3A : vector<16xf32>
    %mul3A_46 = arith.constant 5.000000e-01 : f32
    %mul3A_47 = vector.broadcast %mul3A_46 : f32 to vector<16xf32>
    %mul3A_48 = arith.mulf %sub3A_45, %mul3A_47 : vector<16xf32>
    %broadcast_in_dim3A_49 = arith.constant 0.000000e+00 : f32
    %broadcast_in_dim3A_50 = vector.broadcast %broadcast_in_dim3A_49 : f32 to vector<16xf32>
    %broadcast_in_dim3A_51 = arith.constant 1.000000e+00 : f32
    %broadcast_in_dim3A_52 = vector.broadcast %broadcast_in_dim3A_51 : f32 to vector<16xf32>
    %dma_wait3A_53 = tpu.memref_slice %arg5[%min3A_1] : memref<10000xf32, #tpu.memory_space<hbm>> -> memref<640xf32, #tpu.memory_space<hbm>>
    %dma_wait3A_54 = tpu.memref_slice %arg5[%min3A_1] : memref<10000xf32, #tpu.memory_space<hbm>> -> memref<640xf32, #tpu.memory_space<hbm>>
    tpu.wait_dma2 semaphore(%arg16 : memref<!tpu.dma_semaphore, #tpu.memory_space<semaphore_mem>>) src(%dma_wait3A_54 : memref<640xf32, #tpu.memory_space<hbm>>) dst(%arg11 : memref<640xf32, #tpu.memory_space<vmem>>)
    %dma_wait3A_55 = tpu.memref_slice %arg6[%min3A_1] : memref<10000xf32, #tpu.memory_space<hbm>> -> memref<640xf32, #tpu.memory_space<hbm>>
    %dma_wait3A_56 = tpu.memref_slice %arg6[%min3A_1] : memref<10000xf32, #tpu.memory_space<hbm>> -> memref<640xf32, #tpu.memory_space<hbm>>
    tpu.wait_dma2 semaphore(%arg16 : memref<!tpu.dma_semaphore, #tpu.memory_space<semaphore_mem>>) src(%dma_wait3A_56 : memref<640xf32, #tpu.memory_space<hbm>>) dst(%arg12 : memref<640xf32, #tpu.memory_space<vmem>>)
    %parallel_loop3A = arith.constant 0 : i32
    %parallel_loop3A_57 = arith.constant 640 : i32
    %parallel_loop3A_58 = arith.constant 16 : i32
    scf.for %parallel_loop3A_59 = %parallel_loop3A to %parallel_loop3A_57 step %parallel_loop3A_58  : i32 {
      %parallel_loop3A_60 = arith.index_cast %parallel_loop3A_59 : i32 to index
      %parallel_loop3A_61 = tpu.vector_load %arg11[%parallel_loop3A_60] {strides = array<i32>} : memref<640xf32, #tpu.memory_space<vmem>>, vector<16xf32>,
      %parallel_loop3A_62 = vector.shape_cast %parallel_loop3A_61 : vector<16xf32> to vector<16xf32>
      %parallel_loop3A_63 = arith.mulf %broadcast_in_dim3A, %parallel_loop3A_62 : vector<16xf32>
      %parallel_loop3A_64 = arith.index_cast %parallel_loop3A_59 : i32 to index
      %parallel_loop3A_65 = tpu.vector_load %arg12[%parallel_loop3A_64] {strides = array<i32>} : memref<640xf32, #tpu.memory_space<vmem>>, vector<16xf32>,
      %parallel_loop3A_66 = vector.shape_cast %parallel_loop3A_65 : vector<16xf32> to vector<16xf32>
      %parallel_loop3A_67 = arith.mulf %mul3A_43, %parallel_loop3A_66 : vector<16xf32>
      %parallel_loop3A_68 = arith.addf %parallel_loop3A_67, %mul3A_48 : vector<16xf32>
      %parallel_loop3A_69 = arith.addf %parallel_loop3A_63, %parallel_loop3A_68 : vector<16xf32>
      %parallel_loop3A_70 = arith.maximumf %parallel_loop3A_69, %broadcast_in_dim3A_50 : vector<16xf32>
      %parallel_loop3A_71 = arith.minimumf %parallel_loop3A_70, %broadcast_in_dim3A_52 : vector<16xf32>
      %parallel_loop3A_72 = arith.index_cast %parallel_loop3A_59 : i32 to index
      %parallel_loop3A_73 = tpu.vector_load %arg13[%parallel_loop3A_72] {strides = array<i32>} : memref<640xf32, #tpu.memory_space<vmem>>, vector<16xf32>,
      %parallel_loop3A_74 = vector.shape_cast %parallel_loop3A_73 : vector<16xf32> to vector<16xf32>
      %parallel_loop3A_75 = vector.shape_cast %parallel_loop3A_71 : vector<16xf32> to vector<16xf32>
      tpu.vector_store %arg13[%parallel_loop3A_72], %parallel_loop3A_75 {strides = array<i32>} : memref<640xf32, #tpu.memory_space<vmem>>, vector<16xf32>,
    } {sc.loop_unroll_factor = 40 : i64, sc.parallel_access}
    "tpu.region"() ({
      %run_scoped3A = tpu.sem_alloc : memref<!tpu.dma_semaphore, #tpu.memory_space<semaphore_mem>>
      %dma_start3A_59 = tpu.memref_slice %arg7[%min3A_1] : memref<10000xf32, #tpu.memory_space<hbm>> -> memref<640xf32, #tpu.memory_space<hbm>>
      %dma_start3A_60 = tpu.memref_slice %arg7[%min3A_1] : memref<10000xf32, #tpu.memory_space<hbm>> -> memref<640xf32, #tpu.memory_space<hbm>>
      tpu.enqueue_dma source(%arg13 : memref<640xf32, #tpu.memory_space<vmem>>) target(%dma_start3A_60 : memref<640xf32, #tpu.memory_space<hbm>>) target_semaphore(%run_scoped3A : memref<!tpu.dma_semaphore, #tpu.memory_space<semaphore_mem>>)
      %dma_wait3A_61 = tpu.memref_slice %arg7[%min3A_1] : memref<10000xf32, #tpu.memory_space<hbm>> -> memref<640xf32, #tpu.memory_space<hbm>>
      %dma_wait3A_62 = tpu.memref_slice %arg7[%min3A_1] : memref<10000xf32, #tpu.memory_space<hbm>> -> memref<640xf32, #tpu.memory_space<hbm>>
      tpu.wait_dma2 semaphore(%run_scoped3A : memref<!tpu.dma_semaphore, #tpu.memory_space<semaphore_mem>>) src(%arg13 : memref<640xf32, #tpu.memory_space<vmem>>) dst(%dma_wait3A_62 : memref<640xf32, #tpu.memory_space<hbm>>)
      tpu.yield
    }) : () -> ()
    return
  }
}

</mosaic_0001>

<sc_bundles>
// kernel: kernel.3.cloned.1.call-start
scs
__scs_entry_jumppad:
0x0: {  	(pc) =	sbr.rel $0x88, $3  }
0x1: {  	(tag) =	ssettag $0x0;
	lr =	simm.s32 $0x1  }
0x2: {  	[smem:$0x3F9C] =	sst lr;
	_ =	strace $0xD0000000  }
0x3: {  	_ = 	snop  }
0x4: {  	_ = 	snop  }
0x5: {  	_ = 	snop  }
0x6: {  	_ = 	snop  }
0x7: {  	_ = 	snop  }
__scs_overlays_trampoline_lowered:
0x8: {  	[smem:$0x3FAB] =	sst s0  }
0x9: {  	[smem:$0x3FAC] =	sst s1  }
0xa: {  	[smem:$0x3FAD] =	sst s2  }
0xb: {  	[smem:$0x3FAE] =	sst s3  }
0xc: {  	[smem:$0x3FAF] =	sst s4  }
0xd: {  	[smem:$0x3FB0] =	sst s5  }
0xe: {  	[smem:$0x3FB1] =	sst s6  }
0xf: {  	[smem:$0x3FB2] =	sst s7  }
0x10: {  	[smem:$0x3FB3] =	sst s8  }
0x11: {  	[smem:$0x3FB4] =	sst s9;
	s0 =	simm.s32 @!p0 $0x0  }
0x12: {  	s1 =	sld [smem:$0x3F9A];
	s0 =	simm.s32 @p0 $0x1  }
0x13: {  	[smem:$0x3FB5] =	sst s0;
	s0 =	simm.s32 @!p1 $0x0  }
0x14: {  	s2 =	sld [smem:$0x3F99];
	s0 =	simm.s32 @p1 $0x1  }
0x15: {  	[smem:$0x3FB6] =	sst s0;
	s0 =	simm.s32 @!p2 $0x0  }
0x16: {  	s3 =	sld [smem:$0x3FDB];
	s0 =	simm.s32 @p2 $0x1  }
0x17: {  	s4 =	simm.s32 $0x1BF5;
	[smem:$0x3FB8] =	sst s0  }
0x18: {  	s0 =	sld [smem:$0x3F9B];
	_ =	swait.ge [sflag:s4], $0x0  }
0x19: {  	s7 =	sld [smem:$0x3F9C]  }
0x1a: {  	s8 =	sadd.s32 $0xFFFFE003, lr  }
0x1b: {  	s9 =	sadd.s32 $0xFFFFFEF7, lr;
	s5 =	simm.s32 $0xFFFFFFFF;
	p2 =	slt.u32 s8, $0xFFFFF086  }
0x1c: {  	p1 =	slt.u32 s9, $0xF7A;
	s5 =	simm.s32 @!p2 $0x0  }
0x1d: {  	s5 =	simm.s32 @p1 $0x1;
	p0 =	seq.s32 s7, s2  }
0x1e: {  	s7 =	smul.u32 @!p0 $0xF7A, s2;
	p2 =	seq.s32 @!p0 s5, $0x0  }
0x1f: {  	s9 =	smul.u32 $0xF7A, s1;
	s8 =	simm.s32 @!p0 $0x1BF5;
	p2 =	por !p2, p0  }
0x20: {  	[sflag:s8] =	ssyncset.s32 @!p0 $0xFFFFF086;
	s6 =	sadd.s32 @!p0 s3, s7;
	s7 =	simm.s32 @!p0 $0x108  }
0x21: {  	s3 =	sadd.s32 s3, s9;
	s6 =	sadd.s32 @!p0 $0x88, s6;
	s7 =	simm.s32 @p2 $0x1082  }
0x22: {  	[simem:s7], [sflag:s8] =	dma.local @!p0 [hbm:s6], $0xF7A  }
0x23: {  	s9 =	sor.u32 $0xD0000000, s2;
	s6 =	simm.s32 $0x108;
	_ =	swait.ge @!p0 [sflag:s8], $0x0  }
0x24: {  	s3 =	sadd.s32 $0x88, s3;
	s6 =	simm.s32 @!p1 $0x1082;
	[sflag:s4] =	ssyncset.s32 $0xFFFFF086  }
0x25: {  	[simem:s6], [sflag:s4] =	dma.local [hbm:s3], $0xF7A  }
0x26: {  	[smem:$0x3F9C] =	sst s1;
	(tag) =	ssettag s2;
	_ =	strace s9  }
0x27: {  	s1 =	sld [smem:$0x3FAC]  }
0x28: {  	s2 =	sld [smem:$0x3FAD]  }
0x29: {  	s4 =	sld [smem:$0x3FAF]  }
0x2a: {  	p0 =	seq.s32 s5, $0x0;
	s5 =	sld [smem:$0x3FB0]  }
0x2b: {  	s6 =	sld [smem:$0x3FB1]  }
0x2c: {  	s7 =	sld [smem:$0x3FB2]  }
0x2d: {  	s3 =	simm.s32 $0x108;
	s8 =	sld [smem:$0x3FB3]  }
0x2e: {  	s3 =	simm.s32 @!p0 $0x1082;
	s9 =	sld [smem:$0x3FB4]  }
0x2f: {  	lr =	sadd.s32 s0, s3;
	s0 =	sld [smem:$0x3FAB]  }
0x30: {  	s3 =	sld [smem:$0x3FAE]  }
0x31: {  	[smem:$0x3FB7] =	sst s10  }
0x32: {  	s10 =	sld [smem:$0x3FB5];
	_ =	sdelay $0x3  }
0x33: {  	p0 =	seq.s32 s10, $0x1;
	s10 =	sld [smem:$0x3FB7];
	_ =	sdelay $0x3  }
0x34: {  	[smem:$0x3FB7] =	sst s10  }
0x35: {  	s10 =	sld [smem:$0x3FB6];
	_ =	sdelay $0x3  }
0x36: {  	p1 =	seq.s32 s10, $0x1;
	s10 =	sld [smem:$0x3FB7];
	_ =	sdelay $0x3  }
0x37: {  	[smem:$0x3FB7] =	sst s10  }
0x38: {  	s10 =	sld [smem:$0x3FB8]  }
0x39: {  	_ = 	snop;
	(pc) =	sbr.ind lr, $3  }
0x3a: {  	_ = 	snop  }
0x3b: {  	_ = 	snop  }
0x3c: {  	p2 =	seq.s32 s10, $0x1;
	s10 =	sld [smem:$0x3FB7]  }
0x3d: {  	_ =	shalt  }
0x3e: {  	_ =	shalt  }
0x3f: {  	_ =	shalt  }
0x40: {  	_ =	shalt  }
0x41: {  	_ =	shalt  }
0x42: {  	_ =	shalt  }
0x43: {  	_ =	shalt  }
0x44: {  	_ =	shalt  }
0x45: {  	_ =	shalt  }
0x46: {  	_ =	shalt  }
0x47: {  	_ =	shalt  }
0x48: {  	_ =	shalt  }
0x49: {  	_ =	shalt  }
0x4a: {  	_ =	shalt  }
0x4b: {  	_ =	shalt  }
0x4c: {  	_ =	shalt  }
0x4d: {  	_ =	shalt  }
0x4e: {  	_ =	shalt  }
0x4f: {  	_ =	shalt  }
0x50: {  	_ =	shalt  }
0x51: {  	_ =	shalt  }
0x52: {  	_ =	shalt  }
0x53: {  	_ =	shalt  }
0x54: {  	_ =	shalt  }
0x55: {  	_ =	shalt  }
0x56: {  	_ =	shalt  }
0x57: {  	_ =	shalt  }
0x58: {  	_ =	shalt  }
0x59: {  	_ =	shalt  }
0x5a: {  	_ =	shalt  }
0x5b: {  	_ =	shalt  }
0x5c: {  	_ =	shalt  }
0x5d: {  	_ =	shalt  }
0x5e: {  	_ =	shalt  }
0x5f: {  	_ =	shalt  }
0x60: {  	_ =	shalt  }
0x61: {  	_ =	shalt  }
0x62: {  	_ =	shalt  }
0x63: {  	_ =	shalt  }
0x64: {  	_ =	shalt  }
0x65: {  	_ =	shalt  }
0x66: {  	_ =	shalt  }
0x67: {  	_ =	shalt  }
0x68: {  	_ =	shalt  }
0x69: {  	_ =	shalt  }
0x6a: {  	_ =	shalt  }
0x6b: {  	_ =	shalt  }
0x6c: {  	_ =	shalt  }
0x6d: {  	_ =	shalt  }
0x6e: {  	_ =	shalt  }
0x6f: {  	_ =	shalt  }
0x70: {  	_ =	shalt  }
0x71: {  	_ =	shalt  }
0x72: {  	_ =	shalt  }
0x73: {  	_ =	shalt  }
0x74: {  	_ =	shalt  }
0x75: {  	_ =	shalt  }
0x76: {  	_ =	shalt  }
0x77: {  	_ =	shalt  }
0x78: {  	_ =	shalt  }
0x79: {  	_ =	shalt  }
0x7a: {  	_ =	shalt  }
0x7b: {  	_ =	shalt  }
0x7c: {  	_ =	shalt  }
0x7d: {  	_ =	shalt  }
0x7e: {  	_ =	shalt  }
0x7f: {  	_ =	shalt  }
0x80: {  	_ =	shalt  }
0x81: {  	_ =	shalt  }
0x82: {  	_ =	shalt  }
0x83: {  	_ =	shalt  }
0x84: {  	_ =	shalt  }
0x85: {  	_ =	shalt  }
0x86: {  	_ =	shalt  }
0x87: {  	_ =	shalt  }
.Lfunc_end0:
.L_simem_size_0:
called_computation_lowered:
.L_overlay_start_0:
0x88: {  	s0 =	sld [smem:$0x3FD9]  }
0x89: {  	s1 =	sld [smem:$0x3FFE];
	_ =	sdelay $0x3  }
0x8a: {  	s0 =	sadd.s32 s1, s0  }
0x8b: {  	[smem:$0x3FC3] =	sst s0  }
0x8c: {  	_ = 	snop  }
0x8d: {  	s0 =	sld [smem:$0x3FC8]  }
0x8e: {  	s16 =	sld [smem:$0x3FC7]  }
0x8f: {  	s2 =	sld [smem:$0x3FC5]  }
0x90: {  	s3 =	sld [smem:$0x3FD0];
	(tm) =	ssettm $0x1  }
0x91: {  	s4 =	sld [smem:$0x3FFB];
	_ =	sdelay $0x3  }
0x92: {  	_ =	strace s4  }
0x93: {  	s4 =	sld [smem:$0x3FFC];
	_ =	sdelay $0x3  }
0x94: {  	_ =	strace s4  }
0x95: {  	s4 =	sld [smem:$0x3FFD];
	_ =	sdelay $0x3  }
0x96: {  	_ =	strace s4  }
0x97: {  	_ =	strace $0x8FFFFFFF  }
0x98: {  	s17 =	sld [smem:$0x3FDB];
	_ =	sdelay $0x1  }
0x99: {  	s5 =	simm.s32 $_scs_section_size  }
0x9a: {  	s6 =	simm.s32 $_size__tile_overlayer_lowered;
	s7 =	simm.s32 $_tile_overlayer_lowered  }
0x9b: {  	s20 =	simm.s32 $0x1BFF;
	s19 =	sshll.u32 s7, $0x1;
	s4 =	sadd.s32 s5, s17  }
0x9c: {  	s8 =	simm.s32 $0x0;
	s18 =	sshll.u32 s6, $0x1;
	s6 =	sadd.s32 s19, s4  }
0x9d: {  	[timem:s8], [sflag:s20] =	dma.local [hbm:s6], s18  }
0x9e: {  	_ =	swait.ge [sflag:s20], s18  }
0x9f: {  	s5 =	ssub.s32 $0x0, s18;
	[sflag:s20] =	ssyncset.done $0x0  }
0xa0: {  	[sflag:s20] =	ssyncadd.s32 s5;
	_ =	sdelay $0x1  }
0xa1: {  	s21 =	simm.s32 $0x1B8B  }
0xa2: {  	_ =	swait.ge [sflag:s21], $0x1  }
0xa3: {  	[sflag:s21] =	ssyncset.done $0x0  }
0xa4: {  	s23 =	simm.s32 $0x1B8E;
	s22 =	sld [smem:$0x3FFE];
	[sflag:s21] =	ssyncadd.s32 $0xFFFFFFFF  }
0xa5: {  	s24 =	simm.s32 $execute0_lowered;
	[smem:$0x3FD2] =	sst s23  }
0xa6: {  	s6 =	sshll.u32 s24, $0x1;
	_ =	strace $0x80000046;
	[dreg:$0x1] =	wrdreg $0xFFFFFFFF  }
0xa7: {  	s25 =	simm.s32 $_size_execute0_lowered;
	s4 =	sadd.s32 s4, s6;
	[dreg:$0x0] =	wrdreg $0x0  }
0xa8: {  	s6 =	sshll.u32 s25, $0x1;
	[dreg:$0x2] =	wrdreg s4  }
0xa9: {  	[dreg:$0x3] =	wrdreg s6  }
0xaa: {  	[dreg:$0x4] =	wrdreg $0xC0  }
0xab: {  	_ =	task [dreg:s8], $0x5FFFF  }
0xac: {  	[dreg:$0x1] =	wrdreg $0xFFFFFFFF  }
0xad: {  	[dreg:$0x0] =	wrdreg $0x60  }
0xae: {  	[dreg:$0x2] =	wrdreg s2  }
0xaf: {  	[dreg:$0x3] =	wrdreg s0  }
0xb0: {  	[dreg:$0x4] =	wrdreg s16  }
0xb1: {  	[dreg:$0x5] =	wrdreg s3  }
0xb2: {  	[dreg:$0x6] =	wrdreg s22  }
0xb3: {  	[dreg:$0x7] =	wrdreg $0x9  }
0xb4: {  	_ =	task.clear_ibuf [dreg:s8], $0x8FFFF;
	_ =	strace $0x90000046  }
0xb5: {  	s26 =	simm.s32 $0x9;
	_ =	strace $0x80000048  }
0xb6: {  	_ =	swait.ge [sflag:s26], $0x1  }
0xb7: {  	[sflag:s26] =	ssyncadd.s32 $0xFFFFFFFF  }
0xb8: {  	_ =	strace $0x90000048  }
0xb9: {  	_ =	sfence  }
0xba: {  	s28 =	sld [smem:$0x0];
	_ =	sdelay $0x1  }
0xbb: {  	s29 =	srdreg.scid  }
0xbc: {  	s30 =	sshll.u32 s29, $0xD;
	s31 =	sshrl.u32 s29, $0x2  }
0xbd: {  	s1 =	sand.u32 $0x1, s29;
	s2 =	sand.u32 $0x4000, s30;
	s0 =	sadd.s32 s31, s28  }
0xbe: {  	s1 =	sor.u32 s2, s1;
	s0 =	sshll.u32 s0, $0x11  }
0xbf: {  	s0 =	sor.u32 s0, s1  }
0xc0: {  	s0 =	sadd.s32 $0x8F2B, s0  }
0xc1: {  	[sflag:s0] =	ssyncadd.remote.s32 $0x1  }
0xc2: {  	_ =	sfence.sel $0xFFFF  }
0xc3: {  	[dreg:$0x0] =	wrdreg $0xFFFFFFFF;
	(pc) =	sbr.abs _section_cstart, $3  }
0xc4: {  	[dreg:$0x1] =	wrdreg $0xFFFFFFFF  }
0xc5: {  	_ =	task.clear_ibuf [dreg:s8], $0x2FFFF;
	_ =	strace $0x9FFFFFFF  }
0xc6: {  	(tm) =	ssettm $0x7FFFFFFF  }
0xc7: {  	_ =	shalt  }
tec
execute0_lowered:
.L_overlay_start_1:
0x0: {  	(tag) =	ssettag $0x1  }
0x1: {  	s3 =	rddreg [dreg:$0x0]  }
0x2: {  	s4 =	rddreg [dreg:$0x1]  }
0x3: {  	s5 =	rddreg [dreg:$0x2]  }
0x4: {  	s6 =	rddreg [dreg:$0x3]  }
0x5: {  	s7 =	rddreg [dreg:$0x4];
	s2 =	simm.s32 $0x0  }
0x6: {  	s1 =	stileid.u32;
	[smem:$0x7FF] =	sst s2  }
0x7: {  	s0 =	rddreg [dreg:$0x5];
	s8 =	smul.u32 $0x280, s1;
	_ =	strace $0x80000047  }
0x8: {  	[tilespmem:s2], [sflag:$0x1] =	stream.linear.gather [hbm4b:s3+s2], $0x1, $0x38;
	[tilespmem:$0x1000] =	vst v63  }
0x9: {  	s18 =	simm.s32 $0x80;
	s17 =	smin.u32 s8, $0x2490  }
0xa: {  	[tilespmem:s18], [sflag:$0x2] =	stream.linear.gather [hbm4b:s4+s2], $0x3E8, $0x38;
	[tilespmem:$0x1000] =	vst v63  }
0xb: {  	s20 =	simm.s32 $0x480;
	s19 =	sshrl.u32 s17, $0x3  }
0xc: {  	[tilespmem:s20], [sflag:$0x2] =	stream.linear.gather [hbm4b:s5+s2], $0x3E8, $0x38;
	[tilespmem:$0x1000] =	vst v63  }
0xd: {  	s22 =	simm.s32 $0x880;
	s21 =	sadd.s32 s19, s7;
	s4 =	sadd.s32 s6, s19  }
0xe: {  	[tilespmem:s22], [sflag:$0x3] =	stream.linear.gather [hbm4b:s4+s2], $0x280, $0x38;
	[tilespmem:$0x1000] =	vst v63  }
0xf: {  	s24 =	simm.s32 $0xB00;
	s25 =	simm.s32 $0x1;
	s23 =	sadd.s32 $0x600, s21  }
0x10: {  	[tilespmem:s24], [sflag:$0x3] =	stream.linear.gather [hbm4b:s23+s2], $0x280, $0x38;
	[tilespmem:$0x1000] =	vst v63  }
0x11: {  	_ =	swait.ge [sflag:s25], $0x1  }
0x12: {  	[sflag:s25] =	ssyncset.done $0x0  }
0x13: {  	s26 =	simm.s32 $0x2;
	[sflag:s25] =	ssyncadd.s32 $0xFFFFFFFF  }
0x14: {  	_ =	swait.ge [sflag:s26], $0x3E8  }
0x15: {  	[sflag:s26] =	ssyncset.done $0x0  }
0x16: {  	[sflag:s26] =	ssyncadd.s32 $0xFFFFFC18  }
0x17: {  	_ =	swait.ge [sflag:s26], $0x3E8  }
0x18: {  	[sflag:s26] =	ssyncset.done $0x0  }
0x19: {  	[sflag:s26] =	ssyncadd.s32 $0xFFFFFC18  }
0x1a: {  	v0 =	vld [tilespmem:$0x0];
	_ =	sdelay $0x4  }
0x1b: {  	(v2sf) =	vpush v0, $0x0;
	_ =	sdelay $0xe  }
0x1c: {  	s28 =	spop (v2sf)  }
0x1d: {  	s29 =	simm.s32 $0x3;
	v0 =	vld.msk [tilespmem:s28+$0x80 ss:$0x0], $0xffff  }
0x1e: {  	v1 =	vld [tilespmem:s28+$0x480];
	_ =	swait.ge [sflag:s29], $0x280  }
0x1f: {  	[sflag:s29] =	ssyncset.done $0x0  }
0x20: {  	[sflag:s29] =	ssyncadd.s32 $0xFFFFFD80  }
0x21: {  	_ =	swait.ge [sflag:s29], $0x280  }
0x22: {  	[sflag:s29] =	ssyncset.done $0x0  }
0x23: {  	[sflag:s29] =	ssyncadd.s32 $0xFFFFFD80  }
0x24: {  	v3 =	vld [tilespmem:$0x880]  }
0x25: {  	v4 =	vld [tilespmem:$0xB00]  }
0x26: {  	v5 =	vld [tilespmem:$0x890]  }
0x27: {  	v6 =	vld [tilespmem:$0xB10]  }
0x28: {  	v7 =	vld [tilespmem:$0x8A0]  }
0x29: {  	v8 =	vld [tilespmem:$0xB20]  }
0x2a: {  	v9 =	vld [tilespmem:$0x8B0]  }
0x2b: {  	v10 =	vld [tilespmem:$0xB30]  }
0x2c: {  	v11 =	vld [tilespmem:$0x8C0]  }
0x2d: {  	v12 =	vld [tilespmem:$0xB40]  }
0x2e: {  	v13 =	vld [tilespmem:$0x8D0]  }
0x2f: {  	v14 =	vld [tilespmem:$0xB50]  }
0x30: {  	v15 =	vld [tilespmem:$0x8E0]  }
0x31: {  	v16 =	vld [tilespmem:$0xB60]  }
0x32: {  	v17 =	vld [tilespmem:$0x8F0]  }
0x33: {  	v1 =	vmul.f32 $5.000000000e-01, v1;
	v63 =	vld [tilespmem:$0xB70]  }
0x34: {  	v59 =	vsub.f32 $1.000000000e+00, v0;
	v25 =	vld [tilespmem:$0x900]  }
0x35: {  	v18 =	vld [tilespmem:$0xB80];
	v2 =	vbroadcast v1, $0x0  }
0x36: {  	v28 =	vld [tilespmem:$0x910];
	v1 =	vmul.f32 $5.000000000e-01, v59  }
0x37: {  	v19 =	vld [tilespmem:$0xB90];
	v4 =	vmul.f32 v4, v2;
	v6 =	vmul.f32 v6, v2  }
0x38: {  	v30 =	vld [tilespmem:$0x920];
	v3 =	vmul.f32 v3, v0;
	v5 =	vmul.f32 v5, v0  }
0x39: {  	v20 =	vld [tilespmem:$0xBA0];
	v8 =	vmul.f32 v8, v2;
	v61 =	vmul.f32 v7, v0  }
0x3a: {  	v21 =	vld [tilespmem:$0x930];
	v24 =	vmul.f32 v10, v2;
	v26 =	vmul.f32 v9, v0  }
0x3b: {  	v33 =	vld [tilespmem:$0xBB0];
	v27 =	vmul.f32 v12, v2;
	v14 =	vmul.f32 v14, v2  }
0x3c: {  	v22 =	vld [tilespmem:$0x940];
	v29 =	vmul.f32 v11, v0;
	v13 =	vmul.f32 v13, v0  }
0x3d: {  	v42 =	vld [tilespmem:$0xBD0];
	v16 =	vmul.f32 v16, v2;
	v31 =	vmul.f32 v15, v0  }
0x3e: {  	v37 =	vld [tilespmem:$0xBC0];
	v38 =	vmul.f32 v17, v0;
	v18 =	vmul.f32 v18, v2  }
0x3f: {  	v23 =	vld [tilespmem:$0x950];
	v41 =	vmul.f32 v19, v2;
	v10 =	vmul.f32 v25, v0  }
0x40: {  	v45 =	vld [tilespmem:$0x970];
	v12 =	vmul.f32 v28, v0;
	v20 =	vmul.f32 v20, v2  }
0x41: {  	v50 =	vld [tilespmem:$0x9A0];
	v11 =	vmul.f32 v30, v0;
	v21 =	vmul.f32 v21, v0  }
0x42: {  	v57 =	vld [tilespmem:$0x9F0];
	v19 =	vmul.f32 v42, v2;
	v4 =	vadd.f32 v4, v1;
	v6 =	vadd.f32 v6, v1  }
0x43: {  	v44 =	vld [tilespmem:$0x960];
	v49 =	vmul.f32 v22, v0;
	v62 =	vadd.f32 v8, v1;
	v7 =	vadd.f32 v24, v1  }
0x44: {  	v47 =	vld [tilespmem:$0xBF0];
	v23 =	vmul.f32 v23, v0;
	v9 =	vadd.f32 v27, v1;
	v14 =	vadd.f32 v14, v1  }
0x45: {  	v54 =	vld [tilespmem:$0xC40];
	v17 =	vmul.f32 v45, v0;
	v32 =	vadd.f32 v16, v1;
	v43 =	vadd.f32 v18, v1  }
0x46: {  	v56 =	vld [tilespmem:$0x9E0];
	v22 =	vmul.f32 v50, v0;
	v46 =	vadd.f32 v20, v1;
	v19 =	vadd.f32 v19, v1  }
0x47: {  	v25 =	vld [tilespmem:$0x980];
	v45 =	vmul.f32 v57, v0;
	v3 =	vadd.f32 v4, v3;
	v60 =	vadd.f32 v6, v5  }
0x48: {  	v28 =	vld [tilespmem:$0xC20];
	v8 =	vmul.f32 v63, v2;
	v5 =	vadd.f32 v62, v61;
	v6 =	vadd.f32 v7, v26  }
0x49: {  	v30 =	vld [tilespmem:$0x9D0];
	v16 =	vmul.f32 v33, v2;
	v9 =	vadd.f32 v9, v29;
	v13 =	vadd.f32 v14, v13  }
0x4a: {  	v18 =	vmul.f32 v44, v0;
	v36 =	vadd.f32 v32, v31;
	v39 =	vadd.f32 v8, v1  }
0x4b: {  	v20 =	vmul.f32 v47, v2;
	v10 =	vadd.f32 v43, v10;
	v11 =	vadd.f32 v46, v11  }
0x4c: {  	v14 =	vmul.f32 v37, v2;
	v19 =	vadd.f32 v19, v23;
	v23 =	vmul.f32 v54, v2  }
0x4d: {  	v16 =	vadd.f32 v16, v1;
	v55 =	vmul.f32 v25, v0;
	v28 =	vmul.f32 v28, v2  }
0x4e: {  	v51 =	vld [tilespmem:$0x9B0];
	v20 =	vadd.f32 v20, v1;
	v30 =	vmul.f32 v30, v0;
	v25 =	vmul.f32 v56, v0  }
0x4f: {  	v59 =	vld [tilespmem:$0xC70];
	v3 =	vmax.f32 v3, $0.0e+00;
	v4 =	vmax.f32 v60, $0.0e+00;
	v5 =	vmax.f32 v5, $0.0e+00  }
0x50: {  	v48 =	vld [tilespmem:$0xC00];
	v6 =	vmax.f32 v6, $0.0e+00;
	v34 =	vmax.f32 v9, $0.0e+00;
	v35 =	vmax.f32 v13, $0.0e+00  }
0x51: {  	v53 =	vld [tilespmem:$0xC30];
	v40 =	vmax.f32 v36, $0.0e+00;
	v15 =	vadd.f32 v39, v38;
	v13 =	vadd.f32 v41, v1  }
0x52: {  	v24 =	vld [tilespmem:$0xBE0];
	v10 =	vmax.f32 v10, $0.0e+00;
	v11 =	vmax.f32 v11, $0.0e+00;
	v16 =	vadd.f32 v16, v21  }
0x53: {  	v27 =	vld [tilespmem:$0xC10];
	v14 =	vadd.f32 v14, v1;
	v19 =	vmax.f32 v19, $0.0e+00;
	v17 =	vadd.f32 v20, v17  }
0x54: {  	v63 =	vld [tilespmem:$0xA30];
	v21 =	vmul.f32 v51, v0;
	v23 =	vadd.f32 v23, v1;
	v41 =	vmul.f32 v59, v2  }
0x55: {  	v33 =	vld [tilespmem:$0xA00];
	v3 =	vmin.f32 v3, $1.000000000e+00;
	v4 =	vmin.f32 v4, $1.000000000e+00;
	v5 =	vmin.f32 v5, $1.000000000e+00  }
0x56: {  	v26 =	vld [tilespmem:$0x990];
	v7 =	vmin.f32 v6, $1.000000000e+00;
	v6 =	vmin.f32 v34, $1.000000000e+00;
	v8 =	vmin.f32 v35, $1.000000000e+00  }
0x57: {  	v29 =	vld [tilespmem:$0x9C0];
	v9 =	vmin.f32 v40, $1.000000000e+00;
	v10 =	vmin.f32 v10, $1.000000000e+00;
	v24 =	vmul.f32 v24, v2  }
0x58: {  	v31 =	vld [tilespmem:$0xC50];
	v11 =	vmin.f32 v11, $1.000000000e+00;
	v19 =	vmin.f32 v19, $1.000000000e+00;
	v27 =	vmul.f32 v27, v2  }
0x59: {  	v32 =	vld [tilespmem:$0xC60];
	v58 =	vadd.f32 v28, v1;
	v63 =	vmul.f32 v63, v0;
	v15 =	vmax.f32 v15, $0.0e+00  }
0x5a: {  	v62 =	vld [tilespmem:$0xA20];
	v12 =	vadd.f32 v13, v12;
	v16 =	vmax.f32 v16, $0.0e+00;
	v14 =	vadd.f32 v14, v49  }
0x5b: {  	v54 =	vld [tilespmem:$0xA60];
	v13 =	vmul.f32 v48, v2;
	v17 =	vmax.f32 v17, $0.0e+00;
	v46 =	vadd.f32 v41, v1  }
0x5c: {  	v56 =	vld [tilespmem:$0xCE0];
	v15 =	vmin.f32 v15, $1.000000000e+00;
	v52 =	vadd.f32 v24, v1;
	v16 =	vmin.f32 v16, $1.000000000e+00  }
0x5d: {  	v60 =	vld [tilespmem:$0xC80];
	v26 =	vmul.f32 v26, v0;
	v27 =	vadd.f32 v27, v1;
	v17 =	vmin.f32 v17, $1.000000000e+00  }
0x5e: {  	v36 =	vld [tilespmem:$0xCA0];
	v24 =	vmul.f32 v53, v2;
	v22 =	vadd.f32 v58, v22;
	v31 =	vmul.f32 v31, v2  }
0x5f: {  	v39 =	vld [tilespmem:$0xCB0];
	v61 =	vmul.f32 v29, v0;
	v32 =	vmul.f32 v32, v2;
	v12 =	vmax.f32 v12, $0.0e+00  }
0x60: {  	v51 =	vld [tilespmem:$0xCD0];
	[tilespmem:$0xDB0] =	vst v7;
	v14 =	vmax.f32 v14, $0.0e+00;
	v13 =	vadd.f32 v13, v1;
	v7 =	vadd.f32 v46, v45  }
0x61: {  	v34 =	vld [tilespmem:$0xA10];
	v41 =	vmul.f32 v56, v2;
	v45 =	vmul.f32 v54, v0;
	v12 =	vmin.f32 v12, $1.000000000e+00  }
0x62: {  	v35 =	vld [tilespmem:$0xC90];
	v14 =	vmin.f32 v14, $1.000000000e+00;
	v18 =	vadd.f32 v52, v18;
	v26 =	vadd.f32 v27, v26  }
0x63: {  	v42 =	vld [tilespmem:$0xA40];
	v24 =	vadd.f32 v24, v1;
	v22 =	vmax.f32 v22, $0.0e+00;
	v31 =	vadd.f32 v31, v1  }
0x64: {  	v23 =	vadd.f32 v23, v61;
	v47 =	vmul.f32 v60, v2;
	v52 =	vmul.f32 v33, v0  }
0x65: {  	v38 =	vadd.f32 v32, v1;
	v57 =	vmul.f32 v36, v2;
	v59 =	vmul.f32 v39, v2  }
0x66: {  	v44 =	vld [tilespmem:$0xCC0];
	[tilespmem:$0xD80] =	vst v3;
	v61 =	vmul.f32 v62, v0;
	v33 =	vmul.f32 v51, v2;
	v13 =	vadd.f32 v13, v55  }
0x67: {  	[tilespmem:$0xD90] =	vst v4;
	v48 =	vld [tilespmem:$0xA50];
	v22 =	vmin.f32 v22, $1.000000000e+00;
	v50 =	vmul.f32 v35, v2;
	v55 =	vmul.f32 v34, v0  }
0x68: {  	[tilespmem:$0xE30] =	vst v16;
	v7 =	vmax.f32 v7, $0.0e+00;
	v35 =	vmul.f32 v42, v0;
	v16 =	vadd.f32 v41, v1  }
0x69: {  	[tilespmem:$0xDA0] =	vst v5;
	v58 =	vld [tilespmem:$0xA70];
	v18 =	vmax.f32 v18, $0.0e+00;
	v26 =	vmax.f32 v26, $0.0e+00;
	v21 =	vadd.f32 v24, v21  }
0x6a: {  	[tilespmem:$0xDC0] =	vst v6;
	v37 =	vadd.f32 v31, v30;
	v40 =	vmax.f32 v23, $0.0e+00;
	v43 =	vadd.f32 v38, v25  }
0x6b: {  	[tilespmem:$0xDF0] =	vst v15;
	v53 =	vadd.f32 v47, v1;
	v7 =	vmin.f32 v7, $1.000000000e+00;
	v15 =	vadd.f32 v57, v1  }
0x6c: {  	[tilespmem:$0xE00] =	vst v10;
	v54 =	vld [tilespmem:$0xD50];
	v25 =	vmul.f32 v44, v2;
	v10 =	vadd.f32 v59, v1;
	v38 =	vmul.f32 v48, v0  }
0x6d: {  	[tilespmem:$0xDD0] =	vst v8;
	v60 =	vld [tilespmem:$0xCF0];
	v39 =	vadd.f32 v33, v1;
	v18 =	vmin.f32 v18, $1.000000000e+00;
	v13 =	vmax.f32 v13, $0.0e+00  }
0x6e: {  	[tilespmem:$0xDE0] =	vst v9;
	v62 =	vld [tilespmem:$0xA80];
	v26 =	vmin.f32 v26, $1.000000000e+00;
	v5 =	vmin.f32 v40, $1.000000000e+00;
	v48 =	vmul.f32 v58, v0  }
0x6f: {  	[tilespmem:$0xE20] =	vst v11;
	v32 =	vld [tilespmem:$0xAE0];
	v16 =	vadd.f32 v16, v45;
	v13 =	vmin.f32 v13, $1.000000000e+00;
	v21 =	vmax.f32 v21, $0.0e+00  }
0x70: {  	[tilespmem:$0xE10] =	vst v12;
	v34 =	vld [tilespmem:$0xD00];
	v3 =	vmax.f32 v37, $0.0e+00;
	v8 =	vadd.f32 v53, v52;
	v12 =	vadd.f32 v15, v61  }
0x71: {  	[tilespmem:$0xE50] =	vst v19;
	v42 =	vld [tilespmem:$0xAA0];
	v49 =	vmax.f32 v43, $0.0e+00;
	v36 =	vadd.f32 v25, v1;
	v10 =	vadd.f32 v10, v63  }
0x72: {  	[tilespmem:$0xE70] =	vst v17;
	v44 =	vld [tilespmem:$0xD20];
	v11 =	vadd.f32 v39, v38;
	v31 =	vmul.f32 v54, v2;
	v4 =	vmin.f32 v21, $1.000000000e+00  }
0x73: {  	[tilespmem:$0xE40] =	vst v14;
	v47 =	vld [tilespmem:$0xAB0];
	v3 =	vmin.f32 v3, $1.000000000e+00;
	v6 =	vmin.f32 v49, $1.000000000e+00;
	v21 =	vadd.f32 v50, v1  }
0x74: {  	[tilespmem:$0xEA0] =	vst v22;
	v40 =	vld [tilespmem:$0xA90];
	v43 =	vmul.f32 v60, v2;
	v51 =	vmul.f32 v62, v0;
	v8 =	vmax.f32 v8, $0.0e+00  }
0x75: {  	v58 =	vld [tilespmem:$0xAC0];
	[tilespmem:$0xEF0] =	vst v7;
	v15 =	vadd.f32 v36, v35;
	v46 =	vmul.f32 v34, v2;
	v59 =	vmax.f32 v12, $0.0e+00  }
0x76: {  	[tilespmem:$0xE60] =	vst v18;
	v24 =	vmax.f32 v10, $0.0e+00;
	v28 =	vmul.f32 v42, v0;
	v38 =	vadd.f32 v31, v1  }
0x77: {  	v37 =	vld [tilespmem:$0xD10];
	[tilespmem:$0xE90] =	vst v26;
	v9 =	vadd.f32 v21, v55;
	v14 =	vadd.f32 v43, v1;
	v55 =	vmin.f32 v8, $1.000000000e+00  }
0x78: {  	v52 =	vld [tilespmem:$0xD40];
	[tilespmem:$0xEC0] =	vst v5;
	v61 =	vmul.f32 v44, v2;
	v63 =	vmin.f32 v59, $1.000000000e+00;
	v30 =	vmul.f32 v47, v0  }
0x79: {  	v39 =	vld [tilespmem:$0xD60];
	[tilespmem:$0xE80] =	vst v13;
	v44 =	vmax.f32 v11, $0.0e+00;
	v47 =	vmul.f32 v32, v0;
	v21 =	vadd.f32 v46, v1  }
0x7a: {  	v50 =	vld [tilespmem:$0xD30];
	[tilespmem:$0xEB0] =	vst v4;
	v53 =	vmul.f32 v40, v0;
	v34 =	vmul.f32 v58, v0;
	v40 =	vmin.f32 v24, $1.000000000e+00  }
0x7b: {  	v62 =	vld [tilespmem:$0xAD0];
	[tilespmem:$0xED0] =	vst v3;
	v41 =	vmax.f32 v15, $0.0e+00;
	v45 =	vmin.f32 v44, $1.000000000e+00;
	v46 =	vmax.f32 v16, $0.0e+00  }
0x7c: {  	[tilespmem:$0xEE0] =	vst v6;
	v36 =	vld [tilespmem:$0xAF0];
	v9 =	vmax.f32 v9, $0.0e+00;
	v49 =	vmul.f32 v37, v2;
	v13 =	vadd.f32 v14, v48  }
0x7d: {  	v42 =	vld [tilespmem:$0xD70];
	[tilespmem:$0xF00] =	vst v55;
	v14 =	vadd.f32 v61, v1;
	v29 =	vmul.f32 v52, v2;
	v5 =	vmin.f32 v41, $1.000000000e+00  }
0x7e: {  	[tilespmem:$0xF20] =	vst v63;
	v48 =	vmin.f32 v46, $1.000000000e+00;
	v52 =	vmul.f32 v39, v2;
	v56 =	vmin.f32 v9, $1.000000000e+00  }
0x7f: {  	[tilespmem:$0xF30] =	vst v40;
	v57 =	vadd.f32 v21, v51;
	v27 =	vmul.f32 v50, v2;
	v20 =	vadd.f32 v49, v1  }
0x80: {  	[tilespmem:$0xF50] =	vst v45;
	v37 =	vmul.f32 v62, v0;
	v33 =	vadd.f32 v14, v28;
	v35 =	vadd.f32 v29, v1  }
0x81: {  	[tilespmem:$0xF10] =	vst v56;
	v0 =	vmul.f32 v36, v0;
	v49 =	vmax.f32 v13, $0.0e+00;
	v56 =	vadd.f32 v52, v1  }
0x82: {  	[tilespmem:$0xF40] =	vst v5;
	v2 =	vmul.f32 v42, v2;
	v10 =	vadd.f32 v27, v1;
	v43 =	vadd.f32 v38, v37  }
0x83: {  	[tilespmem:$0xF60] =	vst v48;
	v50 =	vmin.f32 v49, $1.000000000e+00;
	v51 =	vmax.f32 v57, $0.0e+00;
	v60 =	vadd.f32 v20, v53  }
0x84: {  	v6 =	vadd.f32 v35, v34;
	[tilespmem:$0xF70] =	vst v50;
	v53 =	vmin.f32 v51, $1.000000000e+00;
	v4 =	vmax.f32 v33, $0.0e+00  }
0x85: {  	v1 =	vadd.f32 v2, v1;
	[tilespmem:$0xF80] =	vst v53;
	v57 =	vmin.f32 v4, $1.000000000e+00;
	v3 =	vmax.f32 v43, $0.0e+00  }
0x86: {  	v59 =	vadd.f32 v56, v47;
	v54 =	vmax.f32 v60, $0.0e+00;
	[tilespmem:$0xFA0] =	vst v57;
	v62 =	vmin.f32 v3, $1.000000000e+00  }
0x87: {  	v7 =	vadd.f32 v10, v30;
	v60 =	vmax.f32 v6, $0.0e+00;
	v55 =	vmin.f32 v54, $1.000000000e+00;
	[tilespmem:$0xFD0] =	vst v62  }
0x88: {  	v0 =	vadd.f32 v1, v0;
	v2 =	vmax.f32 v59, $0.0e+00;
	v61 =	vmin.f32 v60, $1.000000000e+00;
	[tilespmem:$0xF90] =	vst v55  }
0x89: {  	v58 =	vmax.f32 v7, $0.0e+00;
	v63 =	vmin.f32 v2, $1.000000000e+00;
	[tilespmem:$0xFC0] =	vst v61  }
0x8a: {  	v4 =	vmin.f32 v58, $1.000000000e+00;
	v0 =	vmax.f32 v0, $0.0e+00;
	[tilespmem:$0xFE0] =	vst v63  }
0x8b: {  	[tilespmem:$0xFB0] =	vst v4;
	v0 =	vmin.f32 v0, $1.000000000e+00  }
0x8c: {  	s30 =	simm.s32 $0xD80;
	s31 =	simm.s32 $0x4;
	s3 =	sadd.s32 $0xC00, s21;
	[tilespmem:$0xFF0] =	vst v0  }
0x8d: {  	[hbm4b:s3+s2] =	stream.linear.scatter [tilespmem:s30], [sflag:$0x4], $0x280, $0x38;
	[tilespmem:$0x1000] =	vst v63  }
0x8e: {  	_ =	swait.ge [sflag:s31], $0x280  }
0x8f: {  	[sflag:s31] =	ssyncset.done $0x0  }
0x90: {  	[sflag:s31] =	ssyncadd.s32 $0xFFFFFD80  }
0x91: {  	_ =	sfence.sel $0x180000  }
0x92: {  	[bflag:$0x0] =	sbarrier.arrive $0xFFFF  }
0x93: {  	p0 =	sne.s32 s1, $0x0;
	_ =	strace $0x90000047  }
0x94: {  	s0 =	sadd.s32 @!p0 $0x100000, s0;
	[bflag:$0x2] =	sbarrier.arrive $0xFFFF  }
0x95: {  	[sflag:s0] =	ssyncadd.tile.s32 @!p0 $0x1;
	_ =	shalt  }
.Lfunc_end2:
_tile_overlayer_lowered:
.L_overlay_start_2:
0x96: {  	(tag) =	ssettag $0x2  }
0x97: {  	s0 =	rddreg [dreg:$0x0];
	s2 =	stileid.u32  }
0x98: {  	s1 =	rddreg [dreg:$0x1];
	p0 =	sne.s32 s2, $0x0  }
0x99: {  	s3 =	rddreg [dreg:$0x2];
	[bflag:$0x3] =	sbarrier.arrive $0xFFFF;
	s2 =	simm.s32 @!p0 $0x1C04  }
0x9a: {  	[timem:s3], [sflag:s2] =	dma.local @!p0 [hbm:s0], s1  }
0x9b: {  	s0 =	simm.s32 @!p0 $0x4  }
0x9c: {  	_ =	swait.ge @!p0 [sflag:s0], s1  }
0x9d: {  	s1 =	ssub.s32 @!p0 $0x0, s1;
	[sflag:s0] =	ssyncset.done @!p0 $0x0  }
0x9e: {  	[sflag:s0] =	ssyncadd.s32 @!p0 s1  }
0x9f: {  	[bflag:$0x3] =	sbarrier.arrive $0xFFFF  }
0xa0: {  	_ =	shalt  }

</sc_bundles>
